<compile_context>
chip_gen: v7x
topology: tpu7x:2x2x1
jax: 0.10.2.dev20260603
libtpu: 0.0.44.dev20260713+nightly
codegen_flags: <defaults>
</compile_context>

<pallas_src>
import jax
import jax.numpy as jnp
from jax import lax
from jax.experimental import pallas as pl
from jax.experimental.pallas import tpu as pltpu
from jax.experimental.pallas import tpu_sc as plsc

B, C, HID = 4, 256, 128
H_BEV = W_BEV = 180
HW = H_BEV * W_BEV
NUM_FG = 1000
KPAD = 1024
MCAND = 2048
T_A = 4096
NT_A = (HW + T_A - 1) // T_A
NC, NS = 2, 16
NW = NC * NS


def _fg_body(bev_ref, pos_ref, w1_ref, b1_ref, w2_ref, b2_ref,
             logit_ref, ft_ref):
    f = bev_ref[0] + pos_ref[0]
    ft = jnp.transpose(f)
    ft_ref[0] = ft
    h = lax.dot_general(ft, w1_ref[...], (((1,), (1,)), ((), ())))
    h = jnp.maximum(h + b1_ref[...], 0.0)
    lg = lax.dot_general(w2_ref[...], h, (((1,), (1,)), ((), ())))
    logit_ref[...] = (lg + b2_ref[...])[None]


def _fg_pass(bev3, pos3, fg_w1, fg_b1, fg_w2, fg_b2):
    return pl.pallas_call(
        _fg_body,
        grid=(B, NT_A),
        in_specs=[
            pl.BlockSpec((1, C, T_A), lambda b, t: (b, 0, t)),
            pl.BlockSpec((1, C, T_A), lambda b, t: (b, 0, t)),
            pl.BlockSpec((HID, C), lambda b, t: (0, 0)),
            pl.BlockSpec((1, HID), lambda b, t: (0, 0)),
            pl.BlockSpec((1, HID), lambda b, t: (0, 0)),
            pl.BlockSpec((1, 1), lambda b, t: (0, 0)),
        ],
        out_specs=[
            pl.BlockSpec((1, 1, T_A), lambda b, t: (b, 0, t)),
            pl.BlockSpec((1, T_A, C), lambda b, t: (b, t, 0)),
        ],
        out_shape=[
            jax.ShapeDtypeStruct((B, 1, HW), jnp.float32),
            jax.ShapeDtypeStruct((B, HW, C), jnp.float32),
        ],
    )(bev3, pos3, fg_w1, fg_b1.reshape(1, HID), fg_w2, fg_b2.reshape(1, 1))


def _gather_pass(table, flat_idx):
    nrows = B * KPAD
    b_per_w = nrows // NW
    mesh = plsc.VectorSubcoreMesh(core_axis_name="c", subcore_axis_name="s")

    @pl.kernel(
        mesh=mesh,
        out_type=jax.ShapeDtypeStruct((nrows, C), jnp.float32),
        scratch_types=[
            pltpu.VMEM((b_per_w,), jnp.int32),
            pltpu.VMEM((b_per_w, C), jnp.float32),
            pltpu.SemaphoreType.DMA,
        ],
    )
    def c3(table_hbm, idx_hbm, out_hbm, idx_v, rows_v, sem):
        wid = lax.axis_index("s") * NC + lax.axis_index("c")
        base = wid * b_per_w
        pltpu.sync_copy(idx_hbm.at[pl.ds(base, b_per_w)], idx_v)
        pltpu.async_copy(table_hbm.at[idx_v], rows_v, sem).wait()
        pltpu.sync_copy(rows_v, out_hbm.at[pl.ds(base, b_per_w)])

    return c3(table, flat_idx)


def _head_body(x_ref, idx_ref, qw1_ref, qb1_ref, qw2_ref, qb2_ref,
               pw1_ref, pb1_ref, pw2_ref, qual_ref, qpos_ref):
    x = x_ref[0]
    hq = lax.dot_general(qw1_ref[...], x, (((1,), (1,)), ((), ())))
    hq = jnp.maximum(hq + qb1_ref[...].reshape(HID, 1), 0.0)
    qlg = lax.dot_general(qw2_ref[...], hq, (((1,), (0,)), ((), ())))
    qual_ref[...] = jax.nn.sigmoid(qlg + qb2_ref[...])[None]

    hp = lax.dot_general(pw1_ref[...], x, (((1,), (1,)), ((), ())))
    hp = jnp.maximum(hp + pb1_ref[...].reshape(HID, 1), 0.0)
    po = lax.dot_general(pw2_ref[...], hp, (((1,), (0,)), ((), ())))

    idr = idx_ref[0]
    y_i = lax.div(idr, W_BEV)
    x_i = lax.rem(idr, W_BEV)
    x_n = (x_i.astype(jnp.float32) + 0.5) / W_BEV
    y_n = (y_i.astype(jnp.float32) + 0.5) / H_BEV
    x_w = -51.2 + x_n * (51.2 - (-51.2))
    y_w = -51.2 + y_n * (51.2 - (-51.2))
    z_w = jnp.zeros_like(x_w)
    base = jnp.concatenate([x_w, y_w, z_w], axis=0)
    qpos_ref[...] = (base + jnp.tanh(po) * 5.0)[None]


def _head_pass(feats_sel, sidx, q_w1, q_b1, q_w2, q_b2, p_w1, p_b1, p_w2, p_b2):
    qual3, qpos3 = pl.pallas_call(
        _head_body,
        grid=(B,),
        in_specs=[
            pl.BlockSpec((1, KPAD, C), lambda b: (b, 0, 0)),
            pl.BlockSpec((1, 1, KPAD), lambda b: (b, 0, 0)),
            pl.BlockSpec((HID, C), lambda b: (0, 0)),
            pl.BlockSpec((1, HID), lambda b: (0, 0)),
            pl.BlockSpec((1, HID), lambda b: (0, 0)),
            pl.BlockSpec((1, 1), lambda b: (0, 0)),
            pl.BlockSpec((HID, C), lambda b: (0, 0)),
            pl.BlockSpec((1, HID), lambda b: (0, 0)),
            pl.BlockSpec((3, HID), lambda b: (0, 0)),
        ],
        out_specs=[
            pl.BlockSpec((1, 1, KPAD), lambda b: (b, 0, 0)),
            pl.BlockSpec((1, 3, KPAD), lambda b: (b, 0, 0)),
        ],
        out_shape=[
            jax.ShapeDtypeStruct((B, 1, KPAD), jnp.float32),
            jax.ShapeDtypeStruct((B, 3, KPAD), jnp.float32),
        ],
    )(feats_sel, sidx.reshape(B, 1, KPAD),
      q_w1, q_b1.reshape(1, HID), q_w2, q_b2.reshape(1, 1),
      p_w1, p_b1.reshape(1, HID), p_w2)
    return qual3, qpos3


def kernel(bev_features, pos_embed, fg_w1, fg_b1, fg_w2, fg_b2,
           q_w1, q_b1, q_w2, q_b2, p_w1, p_b1, p_w2, p_b2):
    bev3 = bev_features.reshape(B, C, HW)
    pos3 = pos_embed.reshape(B, C, HW)
    fg_logits3, feats_t = _fg_pass(bev3, pos3, fg_w1, fg_b1, fg_w2, fg_b2)
    fg_logits = fg_logits3.reshape(B, HW)

    fg_probs = jax.nn.sigmoid(fg_logits)
    _, topk_idx = jax.lax.top_k(fg_probs, NUM_FG)

    sidx = jnp.concatenate(
        [topk_idx, jnp.zeros((B, KPAD - NUM_FG), jnp.int32)], axis=1)
    sflat = sidx + jnp.arange(B, dtype=jnp.int32)[:, None] * HW
    gathered = _gather_pass(feats_t.reshape(B * HW, C), sflat.reshape(B * KPAD))
    feats_sel = gathered.reshape(B, KPAD, C)
    qual3, qpos3 = _head_pass(feats_sel, sidx, q_w1, q_b1, q_w2, q_b2,
                              p_w1, p_b1, p_w2, p_b2)

    selected = feats_sel[:, :NUM_FG]
    query_pos = (jnp.swapaxes(qpos3, 1, 2) + p_b2.reshape(1, 1, 3))[:, :NUM_FG]
    quality = qual3[:, 0, :NUM_FG]
    return (selected, query_pos, fg_logits, quality)

# --- scband reference (transcript-rebuilt; emitter-appended) ---
"""Pipeline reference for scband-dual-query-selection-78546361909926 (READ-ONLY COPY).

The authoritative reference and input builder live on the scoring server;
editing this copy changes nothing except your own understanding.
"""

import jax, jax.numpy as jnp
import numpy as np

B, C, H, W = 4, 256, 180, 180
NUM_FG = 1000
PC_RANGE = np.array([-51.2, -51.2, -5.0, 51.2, 51.2, 3.0], dtype=np.float32)


def setup_inputs(seed: int = 0) -> dict:
    key = jax.random.key(seed)
    ks = jax.random.split(key, 16)
    d = C
    h = C // 2
    inp = {
        "bev_features": jax.random.normal(ks[0], (B, C, H, W), dtype=jnp.float32),
        "pos_embed": jax.random.normal(ks[1], (B, C, H, W), dtype=jnp.float32) * 0.02,
        "fg_w1": jax.random.normal(ks[2], (h, d), dtype=jnp.float32) * 0.05,
        "fg_b1": jnp.zeros((h,), dtype=jnp.float32),
        "fg_w2": jax.random.normal(ks[3], (1, h), dtype=jnp.float32) * 0.05,
        "fg_b2": jnp.zeros((1,), dtype=jnp.float32),
        "q_w1": jax.random.normal(ks[4], (h, d), dtype=jnp.float32) * 0.05,
        "q_b1": jnp.zeros((h,), dtype=jnp.float32),
        "q_w2": jax.random.normal(ks[5], (1, h), dtype=jnp.float32) * 0.05,
        "q_b2": jnp.zeros((1,), dtype=jnp.float32),
        "p_w1": jax.random.normal(ks[6], (h, d), dtype=jnp.float32) * 0.05,
        "p_b1": jnp.zeros((h,), dtype=jnp.float32),
        "p_w2": jax.random.normal(ks[7], (3, h), dtype=jnp.float32) * 0.05,
        "p_b2": jnp.zeros((3,), dtype=jnp.float32),
    }
    return inp


def _mlp(x, w1, b1, w2, b2):
    hdn = jax.nn.relu(jnp.dot(x, w1.T) + b1)
    return jnp.dot(hdn, w2.T) + b2


def reference(bev_features, pos_embed, fg_w1, fg_b1, fg_w2, fg_b2,
              q_w1, q_b1, q_w2, q_b2, p_w1, p_b1, p_w2, p_b2):
    # training-mode path of DualQuerySelection (module default self.training=True)
    features = bev_features + pos_embed
    Bq, Cq, Hq, Wq = features.shape
    features_flat = features.reshape(Bq, Cq, Hq * Wq).transpose(0, 2, 1)  # (B, HW, C)
    fg_logits = _mlp(features_flat, fg_w1, fg_b1, fg_w2, fg_b2)[..., 0]  # (B, HW)
    fg_probs = jax.nn.sigmoid(fg_logits)
    num_select = min(NUM_FG, Hq * Wq)
    topk_probs, topk_indices = jax.lax.top_k(fg_probs, num_select)  # (B, K)
    selected_features = jnp.take_along_axis(features_flat, topk_indices[:, :, None], axis=1)  # (B, K, C)
    quality_scores = jax.nn.sigmoid(_mlp(selected_features, q_w1, q_b1, q_w2, q_b2))[..., 0]  # (B, K)
    pos_offsets = _mlp(selected_features, p_w1, p_b1, p_w2, p_b2)  # (B, K, 3)
    y_indices = topk_indices // Wq
    x_indices = topk_indices % Wq
    x_norm = (x_indices.astype(jnp.float32) + 0.5) / Wq
    y_norm = (y_indices.astype(jnp.float32) + 0.5) / Hq
    pc = jnp.asarray(PC_RANGE)
    x_world = pc[0] + x_norm * (pc[3] - pc[0])
    y_world = pc[1] + y_norm * (pc[4] - pc[1])
    z_world = jnp.zeros_like(x_world)
    base_positions = jnp.stack([x_world, y_world, z_world], axis=-1)  # (B, K, 3)
    query_pos = base_positions + jnp.tanh(pos_offsets) * 5.0
    return (selected_features, query_pos, fg_logits, quality_scores)

if __name__ == "__main__":
    import jax
    _d = setup_inputs()
    print(jax.jit(kernel)(*tuple(_d.values())))

</pallas_src>

<mosaic_0001>
#map = affine_map<(d0, d1) -> (0, 0)>
#map1 = affine_map<(d0, d1) -> (0)>
module attributes {stable_mosaic.version = 14 : i64} {
  func.func @c3(%arg0: i32, %arg1: i32, %arg2: memref<129600x256xf32, #tpu.memory_space<hbm>>, %arg3: memref<4096xi32, #tpu.memory_space<hbm>>, %arg4: memref<4096x256xf32, #tpu.memory_space<hbm>>, %arg5: memref<128xi32, #tpu.memory_space<vmem>>, %arg6: memref<128x256xf32, #tpu.memory_space<vmem>>, %arg7: memref<!tpu.dma_semaphore, #tpu.memory_space<semaphore_mem>>) attributes {dimension_semantics = [#tpu.dimension_semantics<core_parallel>, #tpu.dimension_semantics<subcore_parallel>], iteration_bounds = array<i64: 2, 16>, scalar_prefetch = 0 : i64, scratch_operands = 3 : i64, tpu.core_type = #tpu.core_type<sc_vector_subcore>, window_params = [{transform_indices = #map}, {transform_indices = #map1}, {transform_indices = #map}]} {
    %mul3A = arith.constant 2 : i32
    %mul3A_0 = arith.muli %arg1, %mul3A : i32
    %add3A = arith.addi %mul3A_0, %arg0 : i32
    %mul3A_1 = arith.constant 128 : i32
    %mul3A_2 = arith.muli %add3A, %mul3A_1 : i32
    "tpu.region"() ({
      %run_scoped3A = tpu.sem_alloc : memref<!tpu.dma_semaphore, #tpu.memory_space<semaphore_mem>>
      %dma_start3A_7 = tpu.memref_slice %arg3[%mul3A_2] : memref<4096xi32, #tpu.memory_space<hbm>> -> memref<128xi32, #tpu.memory_space<hbm>>
      %dma_start3A_8 = tpu.memref_slice %arg3[%mul3A_2] : memref<4096xi32, #tpu.memory_space<hbm>> -> memref<128xi32, #tpu.memory_space<hbm>>
      tpu.enqueue_dma source(%dma_start3A_8 : memref<128xi32, #tpu.memory_space<hbm>>) target(%arg5 : memref<128xi32, #tpu.memory_space<vmem>>) target_semaphore(%run_scoped3A : memref<!tpu.dma_semaphore, #tpu.memory_space<semaphore_mem>>)
      %dma_wait3A_9 = tpu.memref_slice %arg3[%mul3A_2] : memref<4096xi32, #tpu.memory_space<hbm>> -> memref<128xi32, #tpu.memory_space<hbm>>
      %dma_wait3A_10 = tpu.memref_slice %arg3[%mul3A_2] : memref<4096xi32, #tpu.memory_space<hbm>> -> memref<128xi32, #tpu.memory_space<hbm>>
      tpu.wait_dma2 semaphore(%run_scoped3A : memref<!tpu.dma_semaphore, #tpu.memory_space<semaphore_mem>>) src(%dma_wait3A_10 : memref<128xi32, #tpu.memory_space<hbm>>) dst(%arg5 : memref<128xi32, #tpu.memory_space<vmem>>)
      tpu.yield
    }) : () -> ()
    %dma_start3A = arith.constant 0 : i32
    %dma_start3A_3 = arith.constant 0 : i32
    %dma_start3A_4 = tpu.memref_slice %arg2[%dma_start3A, %dma_start3A_3] : memref<129600x256xf32, #tpu.memory_space<hbm>> -> memref<129600x256xf32, #tpu.memory_space<hbm>>
    tpu.enqueue_indirect_dma source(%dma_start3A_4 : memref<129600x256xf32, #tpu.memory_space<hbm>>) target(%arg6 : memref<128x256xf32, #tpu.memory_space<vmem>>) offsets(%arg5 : memref<128xi32, #tpu.memory_space<vmem>>) semaphore(%arg7 : memref<!tpu.dma_semaphore, #tpu.memory_space<semaphore_mem>>)
    %dma_wait3A = arith.constant 0 : i32
    %dma_wait3A_5 = arith.constant 0 : i32
    %dma_wait3A_6 = tpu.memref_slice %arg2[%dma_wait3A, %dma_wait3A_5] : memref<129600x256xf32, #tpu.memory_space<hbm>> -> memref<129600x256xf32, #tpu.memory_space<hbm>>
    tpu.wait_indirect_dma semaphore(%arg7 : memref<!tpu.dma_semaphore, #tpu.memory_space<semaphore_mem>>) src(%dma_wait3A_6 : memref<129600x256xf32, #tpu.memory_space<hbm>>) dst(%arg6 : memref<128x256xf32, #tpu.memory_space<vmem>>)
    "tpu.region"() ({
      %run_scoped3A = tpu.sem_alloc : memref<!tpu.dma_semaphore, #tpu.memory_space<semaphore_mem>>
      %dma_start3A_7 = arith.constant 0 : i32
      %dma_start3A_8 = tpu.memref_slice %arg4[%mul3A_2, %dma_start3A_7] : memref<4096x256xf32, #tpu.memory_space<hbm>> -> memref<128x256xf32, #tpu.memory_space<hbm>>
      %dma_start3A_9 = arith.constant 0 : i32
      %dma_start3A_10 = tpu.memref_slice %arg4[%mul3A_2, %dma_start3A_9] : memref<4096x256xf32, #tpu.memory_space<hbm>> -> memref<128x256xf32, #tpu.memory_space<hbm>>
      tpu.enqueue_dma source(%arg6 : memref<128x256xf32, #tpu.memory_space<vmem>>) target(%dma_start3A_10 : memref<128x256xf32, #tpu.memory_space<hbm>>) target_semaphore(%run_scoped3A : memref<!tpu.dma_semaphore, #tpu.memory_space<semaphore_mem>>)
      %dma_wait3A_11 = arith.constant 0 : i32
      %dma_wait3A_12 = tpu.memref_slice %arg4[%mul3A_2, %dma_wait3A_11] : memref<4096x256xf32, #tpu.memory_space<hbm>> -> memref<128x256xf32, #tpu.memory_space<hbm>>
      %dma_wait3A_13 = arith.constant 0 : i32
      %dma_wait3A_14 = tpu.memref_slice %arg4[%mul3A_2, %dma_wait3A_13] : memref<4096x256xf32, #tpu.memory_space<hbm>> -> memref<128x256xf32, #tpu.memory_space<hbm>>
      tpu.wait_dma2 semaphore(%run_scoped3A : memref<!tpu.dma_semaphore, #tpu.memory_space<semaphore_mem>>) src(%arg6 : memref<128x256xf32, #tpu.memory_space<vmem>>) dst(%dma_wait3A_14 : memref<128x256xf32, #tpu.memory_space<hbm>>)
      tpu.yield
    }) : () -> ()
    return
  }
}

module attributes {stable_mosaic.version = 14 : i64} {
  func.func @_fg_body(%arg0: i32, %arg1: i32, %arg2: memref<1x256x4096xf32, #tpu.memory_space<vmem>>, %arg3: memref<1x256x4096xf32, #tpu.memory_space<vmem>>, %arg4: memref<128x256xf32, #tpu.memory_space<vmem>>, %arg5: memref<1x128xf32, #tpu.memory_space<vmem>>, %arg6: memref<1x128xf32, #tpu.memory_space<vmem>>, %arg7: memref<1x1xf32, #tpu.memory_space<vmem>>, %arg8: memref<1x1x4096xf32, #tpu.memory_space<vmem>>, %arg9: memref<1x4096x256xf32, #tpu.memory_space<vmem>>) attributes {dimension_semantics = [#tpu.dimension_semantics<arbitrary>, #tpu.dimension_semantics<arbitrary>], iteration_bounds = array<i64: 4, 8>, scalar_prefetch = 0 : i64, scratch_operands = 0 : i64, tpu.core_type = #tpu.core_type<tc>, window_params = [{transform_indices = @transform_0, window_bounds = array<i64: 1, 256, 4096>}, {transform_indices = @transform_1, window_bounds = array<i64: 1, 256, 4096>}, {pipeline_mode = #tpu.pipeline_mode<synchronous>, transform_indices = @transform_2, window_bounds = array<i64: 128, 256>}, {pipeline_mode = #tpu.pipeline_mode<synchronous>, transform_indices = @transform_3, window_bounds = array<i64: 1, 128>}, {pipeline_mode = #tpu.pipeline_mode<synchronous>, transform_indices = @transform_4, window_bounds = array<i64: 1, 128>}, {pipeline_mode = #tpu.pipeline_mode<synchronous>, transform_indices = @transform_5, window_bounds = array<i64: 1, 1>}, {transform_indices = @transform_6, window_bounds = array<i64: 1, 1, 4096>}, {transform_indices = @transform_7, window_bounds = array<i64: 1, 4096, 256>}]} {
    %get3A = arith.constant 0 : index
    %get3A_0 = arith.constant 0 : index
    %get3A_1 = arith.constant 0 : index
    %get3A_2 = vector.load %arg2[%get3A, %get3A_0, %get3A_1] : memref<1x256x4096xf32, #tpu.memory_space<vmem>>, vector<1x256x4096xf32>
    %get3A_3 = vector.shape_cast %get3A_2 : vector<1x256x4096xf32> to vector<256x4096xf32>
    %get3A_4 = arith.constant 0 : index
    %get3A_5 = arith.constant 0 : index
    %get3A_6 = arith.constant 0 : index
    %get3A_7 = vector.load %arg3[%get3A_4, %get3A_5, %get3A_6] : memref<1x256x4096xf32, #tpu.memory_space<vmem>>, vector<1x256x4096xf32>
    %get3A_8 = vector.shape_cast %get3A_7 : vector<1x256x4096xf32> to vector<256x4096xf32>
    %add3A = arith.addf %get3A_3, %get3A_8 : vector<256x4096xf32>
    %transpose3A = tpu.transpose %add3A, [1, 0] : vector<256x4096xf32> -> vector<4096x256xf32>
    %swap3A = arith.constant 0 : index
    %swap3A_9 = arith.constant 0 : index
    %swap3A_10 = arith.constant 0 : index
    %swap3A_11 = vector.load %arg9[%swap3A, %swap3A_9, %swap3A_10] : memref<1x4096x256xf32, #tpu.memory_space<vmem>>, vector<1x4096x256xf32>
    %swap3A_12 = vector.shape_cast %swap3A_11 : vector<1x4096x256xf32> to vector<4096x256xf32>
    %swap3A_13 = vector.shape_cast %transpose3A : vector<4096x256xf32> to vector<1x4096x256xf32>
    tpu.vector_store %arg9[%swap3A, %swap3A_9, %swap3A_10], %swap3A_13 {strides = array<i32>} : memref<1x4096x256xf32, #tpu.memory_space<vmem>>, vector<1x4096x256xf32>,
    %get3A_14 = arith.constant 0 : index
    %get3A_15 = arith.constant 0 : index
    %get3A_16 = vector.load %arg4[%get3A_14, %get3A_15] : memref<128x256xf32, #tpu.memory_space<vmem>>, vector<128x256xf32>
    %dot_general3A = arith.constant dense<0.000000e+00> : vector<4096x128xf32>
    %dot_general3A_17 = tpu.matmul %transpose3A, %get3A_16, %dot_general3A {dimension_numbers = #tpu.dot_dimension_numbers<[1], [1], [0], [0], [0, 0, 1, 0], [], []>, transpose_lhs_hint = false} : vector<4096x256xf32>, vector<128x256xf32>, vector<4096x128xf32> -> vector<4096x128xf32>
    %get3A_18 = arith.constant 0 : index
    %get3A_19 = arith.constant 0 : index
    %get3A_20 = vector.load %arg5[%get3A_18, %get3A_19] : memref<1x128xf32, #tpu.memory_space<vmem>>, vector<1x128xf32>
    %add3A_21 = vector.broadcast %get3A_20 : vector<1x128xf32> to vector<4096x128xf32>
    %add3A_22 = arith.addf %dot_general3A_17, %add3A_21 : vector<4096x128xf32>
    %max3A = arith.constant 0.000000e+00 : f32
    %max3A_23 = vector.broadcast %max3A : f32 to vector<4096x128xf32>
    %max3A_24 = arith.maximumf %add3A_22, %max3A_23 : vector<4096x128xf32>
    %get3A_25 = arith.constant 0 : index
    %get3A_26 = arith.constant 0 : index
    %get3A_27 = vector.load %arg6[%get3A_25, %get3A_26] : memref<1x128xf32, #tpu.memory_space<vmem>>, vector<1x128xf32>
    %dot_general3A_28 = arith.constant dense<0.000000e+00> : vector<1x4096xf32>
    %dot_general3A_29 = tpu.matmul %get3A_27, %max3A_24, %dot_general3A_28 {dimension_numbers = #tpu.dot_dimension_numbers<[1], [1], [0], [0], [0, 0, 1, 0], [], []>, transpose_lhs_hint = false} : vector<1x128xf32>, vector<4096x128xf32>, vector<1x4096xf32> -> vector<1x4096xf32>
    %get3A_30 = arith.constant 0 : index
    %get3A_31 = arith.constant 0 : index
    %get3A_32 = vector.load %arg7[%get3A_30, %get3A_31] : memref<1x1xf32, #tpu.memory_space<vmem>>, vector<1x1xf32>
    %add3A_33 = vector.broadcast %get3A_32 : vector<1x1xf32> to vector<1x4096xf32>
    %add3A_34 = arith.addf %dot_general3A_29, %add3A_33 : vector<1x4096xf32>
    %broadcast_in_dim3A = vector.shape_cast %add3A_34 : vector<1x4096xf32> to vector<1x1x4096xf32>
    %swap3A_35 = arith.constant 0 : index
    %swap3A_36 = arith.constant 0 : index
    %swap3A_37 = arith.constant 0 : index
    %swap3A_38 = vector.load %arg8[%swap3A_35, %swap3A_36, %swap3A_37] : memref<1x1x4096xf32, #tpu.memory_space<vmem>>, vector<1x1x4096xf32>
    tpu.vector_store %arg8[%swap3A_35, %swap3A_36, %swap3A_37], %broadcast_in_dim3A {strides = array<i32>} : memref<1x1x4096xf32, #tpu.memory_space<vmem>>, vector<1x1x4096xf32>,
    return
  }
  func.func @transform_0(%arg0: i32, %arg1: i32) -> (i32, i32, i32) {
    %c0_i32 = arith.constant 0 : i32
    %c0_i32_0 = arith.constant 0 : i32
    return %arg0, %c0_i32, %arg1 : i32, i32, i32
  }
  func.func @transform_1(%arg0: i32, %arg1: i32) -> (i32, i32, i32) {
    %c0_i32 = arith.constant 0 : i32
    %c0_i32_0 = arith.constant 0 : i32
    return %arg0, %c0_i32, %arg1 : i32, i32, i32
  }
  func.func @transform_2(%arg0: i32, %arg1: i32) -> (i32, i32) {
    %c0_i32 = arith.constant 0 : i32
    %c0_i32_0 = arith.constant 0 : i32
    %c0_i32_1 = arith.constant 0 : i32
    return %c0_i32, %c0_i32_0 : i32, i32
  }
  func.func @transform_3(%arg0: i32, %arg1: i32) -> (i32, i32) {
    %c0_i32 = arith.constant 0 : i32
    %c0_i32_0 = arith.constant 0 : i32
    %c0_i32_1 = arith.constant 0 : i32
    return %c0_i32, %c0_i32_0 : i32, i32
  }
  func.func @transform_4(%arg0: i32, %arg1: i32) -> (i32, i32) {
    %c0_i32 = arith.constant 0 : i32
    %c0_i32_0 = arith.constant 0 : i32
    %c0_i32_1 = arith.constant 0 : i32
    return %c0_i32, %c0_i32_0 : i32, i32
  }
  func.func @transform_5(%arg0: i32, %arg1: i32) -> (i32, i32) {
    %c0_i32 = arith.constant 0 : i32
    %c0_i32_0 = arith.constant 0 : i32
    %c0_i32_1 = arith.constant 0 : i32
    return %c0_i32, %c0_i32_0 : i32, i32
  }
  func.func @transform_6(%arg0: i32, %arg1: i32) -> (i32, i32, i32) {
    %c0_i32 = arith.constant 0 : i32
    %c0_i32_0 = arith.constant 0 : i32
    return %arg0, %c0_i32, %arg1 : i32, i32, i32
  }
  func.func @transform_7(%arg0: i32, %arg1: i32) -> (i32, i32, i32) {
    %c0_i32 = arith.constant 0 : i32
    %c0_i32_0 = arith.constant 0 : i32
    return %arg0, %arg1, %c0_i32 : i32, i32, i32
  }
}

module attributes {stable_mosaic.version = 14 : i64} {
  func.func @_head_body(%arg0: i32, %arg1: memref<1x1024x256xf32, #tpu.memory_space<vmem>>, %arg2: memref<1x1x1024xi32, #tpu.memory_space<vmem>>, %arg3: memref<128x256xf32, #tpu.memory_space<vmem>>, %arg4: memref<1x128xf32, #tpu.memory_space<vmem>>, %arg5: memref<1x128xf32, #tpu.memory_space<vmem>>, %arg6: memref<1x1xf32, #tpu.memory_space<vmem>>, %arg7: memref<128x256xf32, #tpu.memory_space<vmem>>, %arg8: memref<1x128xf32, #tpu.memory_space<vmem>>, %arg9: memref<3x128xf32, #tpu.memory_space<vmem>>, %arg10: memref<1x1x1024xf32, #tpu.memory_space<vmem>>, %arg11: memref<1x3x1024xf32, #tpu.memory_space<vmem>>) attributes {dimension_semantics = [#tpu.dimension_semantics<arbitrary>], iteration_bounds = array<i64: 4>, scalar_prefetch = 0 : i64, scratch_operands = 0 : i64, tpu.core_type = #tpu.core_type<tc>, window_params = [{transform_indices = @transform_0, window_bounds = array<i64: 1, 1024, 256>}, {transform_indices = @transform_1, window_bounds = array<i64: 1, 1, 1024>}, {pipeline_mode = #tpu.pipeline_mode<synchronous>, transform_indices = @transform_2, window_bounds = array<i64: 128, 256>}, {pipeline_mode = #tpu.pipeline_mode<synchronous>, transform_indices = @transform_3, window_bounds = array<i64: 1, 128>}, {pipeline_mode = #tpu.pipeline_mode<synchronous>, transform_indices = @transform_4, window_bounds = array<i64: 1, 128>}, {pipeline_mode = #tpu.pipeline_mode<synchronous>, transform_indices = @transform_5, window_bounds = array<i64: 1, 1>}, {pipeline_mode = #tpu.pipeline_mode<synchronous>, transform_indices = @transform_6, window_bounds = array<i64: 128, 256>}, {pipeline_mode = #tpu.pipeline_mode<synchronous>, transform_indices = @transform_7, window_bounds = array<i64: 1, 128>}, {pipeline_mode = #tpu.pipeline_mode<synchronous>, transform_indices = @transform_8, window_bounds = array<i64: 3, 128>}, {transform_indices = @transform_9, window_bounds = array<i64: 1, 1, 1024>}, {transform_indices = @transform_10, window_bounds = array<i64: 1, 3, 1024>}]} {
    %get3A = arith.constant 0 : index
    %get3A_0 = arith.constant 0 : index
    %get3A_1 = arith.constant 0 : index
    %get3A_2 = vector.load %arg1[%get3A, %get3A_0, %get3A_1] : memref<1x1024x256xf32, #tpu.memory_space<vmem>>, vector<1x1024x256xf32>
    %get3A_3 = vector.shape_cast %get3A_2 : vector<1x1024x256xf32> to vector<1024x256xf32>
    %get3A_4 = arith.constant 0 : index
    %get3A_5 = arith.constant 0 : index
    %get3A_6 = vector.load %arg3[%get3A_4, %get3A_5] : memref<128x256xf32, #tpu.memory_space<vmem>>, vector<128x256xf32>
    %dot_general3A = arith.constant dense<0.000000e+00> : vector<128x1024xf32>
    %dot_general3A_7 = tpu.matmul %get3A_6, %get3A_3, %dot_general3A {dimension_numbers = #tpu.dot_dimension_numbers<[1], [1], [0], [0], [0, 0, 1, 0], [], []>, transpose_lhs_hint = false} : vector<128x256xf32>, vector<1024x256xf32>, vector<128x1024xf32> -> vector<128x1024xf32>
    %get3A_8 = arith.constant 0 : index
    %get3A_9 = arith.constant 0 : index
    %get3A_10 = vector.load %arg4[%get3A_8, %get3A_9] : memref<1x128xf32, #tpu.memory_space<vmem>>, vector<1x128xf32>
    %reshape3A = vector.shape_cast %get3A_10 : vector<1x128xf32> to vector<128x1xf32>
    %add3A = vector.broadcast %reshape3A : vector<128x1xf32> to vector<128x1024xf32>
    %add3A_11 = arith.addf %dot_general3A_7, %add3A : vector<128x1024xf32>
    %max3A = arith.constant 0.000000e+00 : f32
    %max3A_12 = vector.broadcast %max3A : f32 to vector<128x1024xf32>
    %max3A_13 = arith.maximumf %add3A_11, %max3A_12 : vector<128x1024xf32>
    %get3A_14 = arith.constant 0 : index
    %get3A_15 = arith.constant 0 : index
    %get3A_16 = vector.load %arg5[%get3A_14, %get3A_15] : memref<1x128xf32, #tpu.memory_space<vmem>>, vector<1x128xf32>
    %dot_general3A_17 = arith.constant dense<0.000000e+00> : vector<1x1024xf32>
    %dot_general3A_18 = tpu.matmul %get3A_16, %max3A_13, %dot_general3A_17 {dimension_numbers = #tpu.dot_dimension_numbers<[1], [0], [0], [1], [0, 0, 1, 1], [], []>, transpose_lhs_hint = false} : vector<1x128xf32>, vector<128x1024xf32>, vector<1x1024xf32> -> vector<1x1024xf32>
    %get3A_19 = arith.constant 0 : index
    %get3A_20 = arith.constant 0 : index
    %get3A_21 = vector.load %arg6[%get3A_19, %get3A_20] : memref<1x1xf32, #tpu.memory_space<vmem>>, vector<1x1xf32>
    %add3A_22 = vector.broadcast %get3A_21 : vector<1x1xf32> to vector<1x1024xf32>
    %add3A_23 = arith.addf %dot_general3A_18, %add3A_22 : vector<1x1024xf32>
    %logistic3A = arith.negf %add3A_23 : vector<1x1024xf32>
    %logistic3A_24 = math.exp %logistic3A : vector<1x1024xf32>
    %logistic3A_25 = arith.constant 1.000000e+00 : f32
    %logistic3A_26 = vector.broadcast %logistic3A_25 : f32 to vector<1x1024xf32>
    %logistic3A_27 = arith.addf %logistic3A_26, %logistic3A_24 : vector<1x1024xf32>
    %logistic3A_28 = arith.divf %logistic3A_26, %logistic3A_27 : vector<1x1024xf32>
    %broadcast_in_dim3A = vector.shape_cast %logistic3A_28 : vector<1x1024xf32> to vector<1x1x1024xf32>
    %swap3A = arith.constant 0 : index
    %swap3A_29 = arith.constant 0 : index
    %swap3A_30 = arith.constant 0 : index
    %swap3A_31 = vector.load %arg10[%swap3A, %swap3A_29, %swap3A_30] : memref<1x1x1024xf32, #tpu.memory_space<vmem>>, vector<1x1x1024xf32>
    tpu.vector_store %arg10[%swap3A, %swap3A_29, %swap3A_30], %broadcast_in_dim3A {strides = array<i32>} : memref<1x1x1024xf32, #tpu.memory_space<vmem>>, vector<1x1x1024xf32>,
    %get3A_32 = arith.constant 0 : index
    %get3A_33 = arith.constant 0 : index
    %get3A_34 = vector.load %arg7[%get3A_32, %get3A_33] : memref<128x256xf32, #tpu.memory_space<vmem>>, vector<128x256xf32>
    %dot_general3A_35 = arith.constant dense<0.000000e+00> : vector<128x1024xf32>
    %dot_general3A_36 = tpu.matmul %get3A_34, %get3A_3, %dot_general3A_35 {dimension_numbers = #tpu.dot_dimension_numbers<[1], [1], [0], [0], [0, 0, 1, 0], [], []>, transpose_lhs_hint = false} : vector<128x256xf32>, vector<1024x256xf32>, vector<128x1024xf32> -> vector<128x1024xf32>
    %get3A_37 = arith.constant 0 : index
    %get3A_38 = arith.constant 0 : index
    %get3A_39 = vector.load %arg8[%get3A_37, %get3A_38] : memref<1x128xf32, #tpu.memory_space<vmem>>, vector<1x128xf32>
    %reshape3A_40 = vector.shape_cast %get3A_39 : vector<1x128xf32> to vector<128x1xf32>
    %add3A_41 = vector.broadcast %reshape3A_40 : vector<128x1xf32> to vector<128x1024xf32>
    %add3A_42 = arith.addf %dot_general3A_36, %add3A_41 : vector<128x1024xf32>
    %max3A_43 = arith.constant 0.000000e+00 : f32
    %max3A_44 = vector.broadcast %max3A_43 : f32 to vector<128x1024xf32>
    %max3A_45 = arith.maximumf %add3A_42, %max3A_44 : vector<128x1024xf32>
    %get3A_46 = arith.constant 0 : index
    %get3A_47 = arith.constant 0 : index
    %get3A_48 = vector.load %arg9[%get3A_46, %get3A_47] : memref<3x128xf32, #tpu.memory_space<vmem>>, vector<3x128xf32>
    %dot_general3A_49 = arith.constant dense<0.000000e+00> : vector<3x1024xf32>
    %dot_general3A_50 = tpu.matmul %get3A_48, %max3A_45, %dot_general3A_49 {dimension_numbers = #tpu.dot_dimension_numbers<[1], [0], [0], [1], [0, 0, 1, 1], [], []>, transpose_lhs_hint = false} : vector<3x128xf32>, vector<128x1024xf32>, vector<3x1024xf32> -> vector<3x1024xf32>
    %get3A_51 = arith.constant 0 : index
    %get3A_52 = arith.constant 0 : index
    %get3A_53 = arith.constant 0 : index
    %get3A_54 = vector.load %arg2[%get3A_51, %get3A_52, %get3A_53] : memref<1x1x1024xi32, #tpu.memory_space<vmem>>, vector<1x1x1024xi32>
    %get3A_55 = vector.shape_cast %get3A_54 : vector<1x1x1024xi32> to vector<1x1024xi32>
    %div3A = arith.constant 180 : i32
    %div3A_56 = vector.broadcast %div3A : i32 to vector<1x1024xi32>
    %div3A_57 = arith.divsi %get3A_55, %div3A_56 : vector<1x1024xi32>
    %rem3A = arith.constant 180 : i32
    %rem3A_58 = vector.broadcast %rem3A : i32 to vector<1x1024xi32>
    %rem3A_59 = arith.remsi %get3A_55, %rem3A_58 : vector<1x1024xi32>
    %convert_element_type3A = arith.sitofp %rem3A_59 : vector<1x1024xi32> to vector<1x1024xf32>
    %add3A_60 = arith.constant 5.000000e-01 : f32
    %add3A_61 = vector.broadcast %add3A_60 : f32 to vector<1x1024xf32>
    %add3A_62 = arith.addf %convert_element_type3A, %add3A_61 : vector<1x1024xf32>
    %div3A_63 = arith.constant 1.800000e+02 : f32
    %div3A_64 = vector.broadcast %div3A_63 : f32 to vector<1x1024xf32>
    %div3A_65 = arith.divf %add3A_62, %div3A_64 : vector<1x1024xf32>
    %convert_element_type3A_66 = arith.sitofp %div3A_57 : vector<1x1024xi32> to vector<1x1024xf32>
    %add3A_67 = arith.constant 5.000000e-01 : f32
    %add3A_68 = vector.broadcast %add3A_67 : f32 to vector<1x1024xf32>
    %add3A_69 = arith.addf %convert_element_type3A_66, %add3A_68 : vector<1x1024xf32>
    %div3A_70 = arith.constant 1.800000e+02 : f32
    %div3A_71 = vector.broadcast %div3A_70 : f32 to vector<1x1024xf32>
    %div3A_72 = arith.divf %add3A_69, %div3A_71 : vector<1x1024xf32>
    %mul3A = arith.constant 1.024000e+02 : f32
    %mul3A_73 = vector.broadcast %mul3A : f32 to vector<1x1024xf32>
    %mul3A_74 = arith.mulf %div3A_65, %mul3A_73 : vector<1x1024xf32>
    %add3A_75 = arith.constant -5.120000e+01 : f32
    %add3A_76 = vector.broadcast %add3A_75 : f32 to vector<1x1024xf32>
    %add3A_77 = arith.addf %add3A_76, %mul3A_74 : vector<1x1024xf32>
    %mul3A_78 = arith.constant 1.024000e+02 : f32
    %mul3A_79 = vector.broadcast %mul3A_78 : f32 to vector<1x1024xf32>
    %mul3A_80 = arith.mulf %div3A_72, %mul3A_79 : vector<1x1024xf32>
    %add3A_81 = arith.constant -5.120000e+01 : f32
    %add3A_82 = vector.broadcast %add3A_81 : f32 to vector<1x1024xf32>
    %add3A_83 = arith.addf %add3A_82, %mul3A_80 : vector<1x1024xf32>
    %broadcast_in_dim3A_84 = arith.constant 0.000000e+00 : f32
    %broadcast_in_dim3A_85 = vector.broadcast %broadcast_in_dim3A_84 : f32 to vector<1x1024xf32>
    %concatenate3A = tpu.concatenate %add3A_77, %add3A_83, %broadcast_in_dim3A_85 in 0 : vector<1x1024xf32>, vector<1x1024xf32>, vector<1x1024xf32> -> vector<3x1024xf32>
    %tanh3A = math.tanh %dot_general3A_50 : vector<3x1024xf32>
    %mul3A_86 = arith.constant 5.000000e+00 : f32
    %mul3A_87 = vector.broadcast %mul3A_86 : f32 to vector<3x1024xf32>
    %mul3A_88 = arith.mulf %tanh3A, %mul3A_87 : vector<3x1024xf32>
    %add3A_89 = arith.addf %concatenate3A, %mul3A_88 : vector<3x1024xf32>
    %broadcast_in_dim3A_90 = vector.shape_cast %add3A_89 : vector<3x1024xf32> to vector<1x3x1024xf32>
    %swap3A_91 = arith.constant 0 : index
    %swap3A_92 = arith.constant 0 : index
    %swap3A_93 = arith.constant 0 : index
    %swap3A_94 = vector.load %arg11[%swap3A_91, %swap3A_92, %swap3A_93] : memref<1x3x1024xf32, #tpu.memory_space<vmem>>, vector<1x3x1024xf32>
    tpu.vector_store %arg11[%swap3A_91, %swap3A_92, %swap3A_93], %broadcast_in_dim3A_90 {strides = array<i32>} : memref<1x3x1024xf32, #tpu.memory_space<vmem>>, vector<1x3x1024xf32>,
    return
  }
  func.func @transform_0(%arg0: i32) -> (i32, i32, i32) {
    %c0_i32 = arith.constant 0 : i32
    %c0_i32_0 = arith.constant 0 : i32
    %c0_i32_1 = arith.constant 0 : i32
    return %arg0, %c0_i32, %c0_i32_0 : i32, i32, i32
  }
  func.func @transform_1(%arg0: i32) -> (i32, i32, i32) {
    %c0_i32 = arith.constant 0 : i32
    %c0_i32_0 = arith.constant 0 : i32
    %c0_i32_1 = arith.constant 0 : i32
    return %arg0, %c0_i32, %c0_i32_0 : i32, i32, i32
  }
  func.func @transform_2(%arg0: i32) -> (i32, i32) {
    %c0_i32 = arith.constant 0 : i32
    %c0_i32_0 = arith.constant 0 : i32
    %c0_i32_1 = arith.constant 0 : i32
    return %c0_i32, %c0_i32_0 : i32, i32
  }
  func.func @transform_3(%arg0: i32) -> (i32, i32) {
    %c0_i32 = arith.constant 0 : i32
    %c0_i32_0 = arith.constant 0 : i32
    %c0_i32_1 = arith.constant 0 : i32
    return %c0_i32, %c0_i32_0 : i32, i32
  }
  func.func @transform_4(%arg0: i32) -> (i32, i32) {
    %c0_i32 = arith.constant 0 : i32
    %c0_i32_0 = arith.constant 0 : i32
    %c0_i32_1 = arith.constant 0 : i32
    return %c0_i32, %c0_i32_0 : i32, i32
  }
  func.func @transform_5(%arg0: i32) -> (i32, i32) {
    %c0_i32 = arith.constant 0 : i32
    %c0_i32_0 = arith.constant 0 : i32
    %c0_i32_1 = arith.constant 0 : i32
    return %c0_i32, %c0_i32_0 : i32, i32
  }
  func.func @transform_6(%arg0: i32) -> (i32, i32) {
    %c0_i32 = arith.constant 0 : i32
    %c0_i32_0 = arith.constant 0 : i32
    %c0_i32_1 = arith.constant 0 : i32
    return %c0_i32, %c0_i32_0 : i32, i32
  }
  func.func @transform_7(%arg0: i32) -> (i32, i32) {
    %c0_i32 = arith.constant 0 : i32
    %c0_i32_0 = arith.constant 0 : i32
    %c0_i32_1 = arith.constant 0 : i32
    return %c0_i32, %c0_i32_0 : i32, i32
  }
  func.func @transform_8(%arg0: i32) -> (i32, i32) {
    %c0_i32 = arith.constant 0 : i32
    %c0_i32_0 = arith.constant 0 : i32
    %c0_i32_1 = arith.constant 0 : i32
    return %c0_i32, %c0_i32_0 : i32, i32
  }
  func.func @transform_9(%arg0: i32) -> (i32, i32, i32) {
    %c0_i32 = arith.constant 0 : i32
    %c0_i32_0 = arith.constant 0 : i32
    %c0_i32_1 = arith.constant 0 : i32
    return %arg0, %c0_i32, %c0_i32_0 : i32, i32, i32
  }
  func.func @transform_10(%arg0: i32) -> (i32, i32, i32) {
    %c0_i32 = arith.constant 0 : i32
    %c0_i32_0 = arith.constant 0 : i32
    %c0_i32_1 = arith.constant 0 : i32
    return %arg0, %c0_i32, %c0_i32_0 : i32, i32, i32
  }
}

</mosaic_0001>

<sc_bundles>
// kernel: kernel.5.cloned.1.call-start
scs
__scs_entry_jumppad:
0x0: {  	(pc) =	sbr.rel $0x88, $3  }
0x1: {  	(tag) =	ssettag $0x0;
	lr =	simm.s32 $0x1  }
0x2: {  	[smem:$0x3F93] =	sst lr;
	_ =	strace $0xD0000000  }
0x3: {  	_ = 	snop  }
0x4: {  	_ = 	snop  }
0x5: {  	_ = 	snop  }
0x6: {  	_ = 	snop  }
0x7: {  	_ = 	snop  }
__scs_overlays_trampoline_lowered:
0x8: {  	[smem:$0x3FA2] =	sst s0  }
0x9: {  	[smem:$0x3FA3] =	sst s1  }
0xa: {  	[smem:$0x3FA4] =	sst s2  }
0xb: {  	[smem:$0x3FA5] =	sst s3  }
0xc: {  	[smem:$0x3FA6] =	sst s4  }
0xd: {  	[smem:$0x3FA7] =	sst s5  }
0xe: {  	[smem:$0x3FA8] =	sst s6  }
0xf: {  	[smem:$0x3FA9] =	sst s7  }
0x10: {  	[smem:$0x3FAA] =	sst s8  }
0x11: {  	[smem:$0x3FAB] =	sst s9;
	s0 =	simm.s32 @!p0 $0x0  }
0x12: {  	s1 =	sld [smem:$0x3F91];
	s0 =	simm.s32 @p0 $0x1  }
0x13: {  	[smem:$0x3FAC] =	sst s0;
	s0 =	simm.s32 @!p1 $0x0  }
0x14: {  	s2 =	sld [smem:$0x3F90];
	s0 =	simm.s32 @p1 $0x1  }
0x15: {  	[smem:$0x3FAD] =	sst s0;
	s0 =	simm.s32 @!p2 $0x0  }
0x16: {  	s3 =	sld [smem:$0x3FDB];
	s0 =	simm.s32 @p2 $0x1  }
0x17: {  	s4 =	simm.s32 $0x1BF5;
	[smem:$0x3FAF] =	sst s0  }
0x18: {  	s0 =	sld [smem:$0x3F92];
	_ =	swait.ge [sflag:s4], $0x0  }
0x19: {  	s7 =	sld [smem:$0x3F93]  }
0x1a: {  	s8 =	sadd.s32 $0xFFFFE003, lr  }
0x1b: {  	s9 =	sadd.s32 $0xFFFFFEF7, lr;
	s5 =	simm.s32 $0xFFFFFFFF;
	p2 =	slt.u32 s8, $0xFFFFF086  }
0x1c: {  	p1 =	slt.u32 s9, $0xF7A;
	s5 =	simm.s32 @!p2 $0x0  }
0x1d: {  	s5 =	simm.s32 @p1 $0x1;
	p0 =	seq.s32 s7, s2  }
0x1e: {  	s7 =	smul.u32 @!p0 $0xF7A, s2;
	p2 =	seq.s32 @!p0 s5, $0x0  }
0x1f: {  	s9 =	smul.u32 $0xF7A, s1;
	s8 =	simm.s32 @!p0 $0x1BF5;
	p2 =	por !p2, p0  }
0x20: {  	[sflag:s8] =	ssyncset.s32 @!p0 $0xFFFFF086;
	s6 =	sadd.s32 @!p0 s3, s7;
	s7 =	simm.s32 @!p0 $0x108  }
0x21: {  	s3 =	sadd.s32 s3, s9;
	s6 =	sadd.s32 @!p0 $0x88, s6;
	s7 =	simm.s32 @p2 $0x1082  }
0x22: {  	[simem:s7], [sflag:s8] =	dma.local @!p0 [hbm:s6], $0xF7A  }
0x23: {  	s9 =	sor.u32 $0xD0000000, s2;
	s6 =	simm.s32 $0x108;
	_ =	swait.ge @!p0 [sflag:s8], $0x0  }
0x24: {  	s3 =	sadd.s32 $0x88, s3;
	s6 =	simm.s32 @!p1 $0x1082;
	[sflag:s4] =	ssyncset.s32 $0xFFFFF086  }
0x25: {  	[simem:s6], [sflag:s4] =	dma.local [hbm:s3], $0xF7A  }
0x26: {  	[smem:$0x3F93] =	sst s1;
	(tag) =	ssettag s2;
	_ =	strace s9  }
0x27: {  	s1 =	sld [smem:$0x3FA3]  }
0x28: {  	s2 =	sld [smem:$0x3FA4]  }
0x29: {  	s4 =	sld [smem:$0x3FA6]  }
0x2a: {  	p0 =	seq.s32 s5, $0x0;
	s5 =	sld [smem:$0x3FA7]  }
0x2b: {  	s6 =	sld [smem:$0x3FA8]  }
0x2c: {  	s7 =	sld [smem:$0x3FA9]  }
0x2d: {  	s3 =	simm.s32 $0x108;
	s8 =	sld [smem:$0x3FAA]  }
0x2e: {  	s3 =	simm.s32 @!p0 $0x1082;
	s9 =	sld [smem:$0x3FAB]  }
0x2f: {  	lr =	sadd.s32 s0, s3;
	s0 =	sld [smem:$0x3FA2]  }
0x30: {  	s3 =	sld [smem:$0x3FA5]  }
0x31: {  	[smem:$0x3FAE] =	sst s10  }
0x32: {  	s10 =	sld [smem:$0x3FAC];
	_ =	sdelay $0x3  }
0x33: {  	p0 =	seq.s32 s10, $0x1;
	s10 =	sld [smem:$0x3FAE];
	_ =	sdelay $0x3  }
0x34: {  	[smem:$0x3FAE] =	sst s10  }
0x35: {  	s10 =	sld [smem:$0x3FAD];
	_ =	sdelay $0x3  }
0x36: {  	p1 =	seq.s32 s10, $0x1;
	s10 =	sld [smem:$0x3FAE];
	_ =	sdelay $0x3  }
0x37: {  	[smem:$0x3FAE] =	sst s10  }
0x38: {  	s10 =	sld [smem:$0x3FAF]  }
0x39: {  	_ = 	snop;
	(pc) =	sbr.ind lr, $3  }
0x3a: {  	_ = 	snop  }
0x3b: {  	_ = 	snop  }
0x3c: {  	p2 =	seq.s32 s10, $0x1;
	s10 =	sld [smem:$0x3FAE]  }
0x3d: {  	_ =	shalt  }
0x3e: {  	_ =	shalt  }
0x3f: {  	_ =	shalt  }
0x40: {  	_ =	shalt  }
0x41: {  	_ =	shalt  }
0x42: {  	_ =	shalt  }
0x43: {  	_ =	shalt  }
0x44: {  	_ =	shalt  }
0x45: {  	_ =	shalt  }
0x46: {  	_ =	shalt  }
0x47: {  	_ =	shalt  }
0x48: {  	_ =	shalt  }
0x49: {  	_ =	shalt  }
0x4a: {  	_ =	shalt  }
0x4b: {  	_ =	shalt  }
0x4c: {  	_ =	shalt  }
0x4d: {  	_ =	shalt  }
0x4e: {  	_ =	shalt  }
0x4f: {  	_ =	shalt  }
0x50: {  	_ =	shalt  }
0x51: {  	_ =	shalt  }
0x52: {  	_ =	shalt  }
0x53: {  	_ =	shalt  }
0x54: {  	_ =	shalt  }
0x55: {  	_ =	shalt  }
0x56: {  	_ =	shalt  }
0x57: {  	_ =	shalt  }
0x58: {  	_ =	shalt  }
0x59: {  	_ =	shalt  }
0x5a: {  	_ =	shalt  }
0x5b: {  	_ =	shalt  }
0x5c: {  	_ =	shalt  }
0x5d: {  	_ =	shalt  }
0x5e: {  	_ =	shalt  }
0x5f: {  	_ =	shalt  }
0x60: {  	_ =	shalt  }
0x61: {  	_ =	shalt  }
0x62: {  	_ =	shalt  }
0x63: {  	_ =	shalt  }
0x64: {  	_ =	shalt  }
0x65: {  	_ =	shalt  }
0x66: {  	_ =	shalt  }
0x67: {  	_ =	shalt  }
0x68: {  	_ =	shalt  }
0x69: {  	_ =	shalt  }
0x6a: {  	_ =	shalt  }
0x6b: {  	_ =	shalt  }
0x6c: {  	_ =	shalt  }
0x6d: {  	_ =	shalt  }
0x6e: {  	_ =	shalt  }
0x6f: {  	_ =	shalt  }
0x70: {  	_ =	shalt  }
0x71: {  	_ =	shalt  }
0x72: {  	_ =	shalt  }
0x73: {  	_ =	shalt  }
0x74: {  	_ =	shalt  }
0x75: {  	_ =	shalt  }
0x76: {  	_ =	shalt  }
0x77: {  	_ =	shalt  }
0x78: {  	_ =	shalt  }
0x79: {  	_ =	shalt  }
0x7a: {  	_ =	shalt  }
0x7b: {  	_ =	shalt  }
0x7c: {  	_ =	shalt  }
0x7d: {  	_ =	shalt  }
0x7e: {  	_ =	shalt  }
0x7f: {  	_ =	shalt  }
0x80: {  	_ =	shalt  }
0x81: {  	_ =	shalt  }
0x82: {  	_ =	shalt  }
0x83: {  	_ =	shalt  }
0x84: {  	_ =	shalt  }
0x85: {  	_ =	shalt  }
0x86: {  	_ =	shalt  }
0x87: {  	_ =	shalt  }
.Lfunc_end0:
.L_simem_size_0:
called_computation_lowered:
.L_overlay_start_0:
0x88: {  	s2 =	sld [smem:$0x3FD9]  }
0x89: {  	s3 =	sld [smem:$0x3FFE];
	_ =	sdelay $0x1  }
0x8a: {  	s1 =	srdreg.scid  }
0x8b: {  	s0 =	sand.u32 $0x1, s1  }
0x8c: {  	s14 =	sshll.u32 s0, $0xA;
	s2 =	sadd.s32 s3, s2  }
0x8d: {  	s2 =	sadd.s32 s2, s14  }
0x8e: {  	[smem:$0x3FBA] =	sst s2  }
0x8f: {  	_ = 	snop  }
0x90: {  	s2 =	sld [smem:$0x3FD0];
	_ =	sdelay $0x2  }
0x91: {  	s15 =	simm.s32 $0xA;
	s4 =	simm.s32 $0x10  }
0x92: {  	[smem:s4], [sflag:s15] =	dma.local [hbm:s2], $0x1  }
0x93: {  	_ =	swait.eq [sflag:s15], $0x1  }
0x94: {  	[sflag:s15] =	ssyncset.done $0x0  }
0x95: {  	[sflag:s15] =	ssyncadd.s32 $0xFFFFFFFF  }
0x96: {  	s16 =	sld [smem:$0x13];
	(tm) =	ssettm $0x1  }
0x97: {  	s17 =	sld [smem:$0x3FFB];
	_ =	sdelay $0x3  }
0x98: {  	_ =	strace s17  }
0x99: {  	s3 =	sld [smem:$0x3FFC];
	_ =	sdelay $0x3  }
0x9a: {  	_ =	strace s3  }
0x9b: {  	s3 =	sld [smem:$0x3FFD];
	_ =	sdelay $0x3  }
0x9c: {  	_ =	strace s3  }
0x9d: {  	_ =	strace $0x8FFFFFFF  }
0x9e: {  	s18 =	sld [smem:$0x3FDB];
	_ =	sdelay $0x1  }
0x9f: {  	s19 =	simm.s32 $_scs_section_size  }
0xa0: {  	s5 =	simm.s32 $_size__tile_overlayer_lowered;
	s6 =	simm.s32 $_tile_overlayer_lowered  }
0xa1: {  	s22 =	simm.s32 $0x1BFF;
	s21 =	sshll.u32 s6, $0x1;
	s3 =	sadd.s32 s19, s18  }
0xa2: {  	s7 =	simm.s32 $0x0;
	s20 =	sshll.u32 s5, $0x1;
	s5 =	sadd.s32 s21, s3  }
0xa3: {  	[timem:s7], [sflag:s22] =	dma.local [hbm:s5], s20  }
0xa4: {  	_ =	swait.ge [sflag:s22], s20  }
0xa5: {  	s4 =	ssub.s32 $0x0, s20;
	[sflag:s22] =	ssyncset.done $0x0  }
0xa6: {  	[sflag:s22] =	ssyncadd.s32 s4;
	_ =	sdelay $0x1  }
0xa7: {  	s23 =	simm.s32 $0x1B8B  }
0xa8: {  	_ =	swait.ge [sflag:s23], $0x1  }
0xa9: {  	[sflag:s23] =	ssyncset.done $0x0  }
0xaa: {  	s25 =	simm.s32 $0x1B8E;
	s24 =	sld [smem:$0x3FFE];
	[sflag:s23] =	ssyncadd.s32 $0xFFFFFFFF  }
0xab: {  	s26 =	simm.s32 $execute0_lowered;
	[smem:$0x3FD2] =	sst s25  }
0xac: {  	s5 =	sshll.u32 s26, $0x1;
	_ =	strace $0x80000046;
	[dreg:$0x1] =	wrdreg $0xFFFFFFFF  }
0xad: {  	s28 =	simm.s32 $_size_execute0_lowered;
	s3 =	sadd.s32 s3, s5;
	[dreg:$0x0] =	wrdreg $0x0  }
0xae: {  	s5 =	sshll.u32 s28, $0x1;
	[dreg:$0x2] =	wrdreg s3  }
0xaf: {  	[dreg:$0x3] =	wrdreg s5  }
0xb0: {  	[dreg:$0x4] =	wrdreg $0xC0  }
0xb1: {  	_ =	task [dreg:s7], $0x5FFFF  }
0xb2: {  	[dreg:$0x1] =	wrdreg $0xFFFFFFFF  }
0xb3: {  	[dreg:$0x0] =	wrdreg $0x60  }
0xb4: {  	[dreg:$0x2] =	wrdreg s24  }
0xb5: {  	[dreg:$0x3] =	wrdreg s16  }
0xb6: {  	[dreg:$0x4] =	wrdreg $0x9  }
0xb7: {  	_ =	task.clear_ibuf [dreg:s7], $0x5FFFF;
	_ =	strace $0x90000046  }
0xb8: {  	s29 =	simm.s32 $0x9;
	_ =	strace $0x80000048  }
0xb9: {  	_ =	swait.ge [sflag:s29], $0x1  }
0xba: {  	[sflag:s29] =	ssyncadd.s32 $0xFFFFFFFF  }
0xbb: {  	_ =	strace $0x90000048  }
0xbc: {  	_ =	sfence  }
0xbd: {  	s30 =	sld [smem:$0x0];
	_ =	sdelay $0x2  }
0xbe: {  	s31 =	sshll.u32 s1, $0xD;
	s1 =	sshrl.u32 s1, $0x2  }
0xbf: {  	s3 =	sand.u32 $0x4000, s31;
	s1 =	sadd.s32 s1, s30  }
0xc0: {  	s0 =	sor.u32 s3, s0;
	s1 =	sshll.u32 s1, $0x11  }
0xc1: {  	s0 =	sor.u32 s1, s0  }
0xc2: {  	s0 =	sadd.s32 $0x8F2B, s0  }
0xc3: {  	[sflag:s0] =	ssyncadd.remote.s32 $0x1  }
0xc4: {  	_ =	sfence.sel $0xFFFF  }
0xc5: {  	[dreg:$0x0] =	wrdreg $0xFFFFFFFF;
	(pc) =	sbr.abs _section_cstart, $3  }
0xc6: {  	[dreg:$0x1] =	wrdreg $0xFFFFFFFF  }
0xc7: {  	_ =	task.clear_ibuf [dreg:s7], $0x2FFFF;
	_ =	strace $0x9FFFFFFF  }
0xc8: {  	(tm) =	ssettm $0x7FFFFFFF  }
0xc9: {  	_ =	shalt  }
tec
execute0_lowered:
.L_overlay_start_1:
0x0: {  	(tag) =	ssettag $0x1  }
0x1: {  	s4 =	rddreg [dreg:$0x0]  }
0x2: {  	s5 =	rddreg [dreg:$0x1]  }
0x3: {  	s0 =	rddreg [dreg:$0x2];
	s3 =	srdreg.scid  }
0x4: {  	s2 =	simm.s32 $0x0;
	s1 =	stileid.u32;
	s10 =	simm.s32 $0x1080  }
0x5: {  	s11 =	simm.s32 $0x1880;
	s12 =	simm.s32 $0x2080;
	s13 =	simm.s32 $0x2880  }
0x6: {  	s14 =	simm.s32 $0x3080;
	s15 =	simm.s32 $0x3880;
	s16 =	simm.s32 $0x4080  }
0x7: {  	s17 =	simm.s32 $0x4880;
	s18 =	simm.s32 $0x5080;
	s19 =	simm.s32 $0x5880  }
0x8: {  	s20 =	simm.s32 $0x6080;
	s21 =	simm.s32 $0x6880;
	s22 =	simm.s32 $0x7080  }
0x9: {  	s23 =	simm.s32 $0x7880;
	s24 =	simm.s32 $0x1;
	s3 =	sand.u32 $0x1, s3  }
0xa: {  	[smem:$0x7FF] =	sst s2;
	s6 =	sshll.u32 s1, $0x8;
	s7 =	sshll.u32 s3, $0x7  }
0xb: {  	_ =	strace $0x80000047;
	s30 =	ssub.s32 $0x2, s3;
	s6 =	sor.u32 s7, s6  }
0xc: {  	s3 =	sadd.s32 $0x7F0400, s4;
	s9 =	sshrl.u32 s30, $0x1;
	s8 =	sshll.u32 s6, $0x5  }
0xd: {  	v2 =	vlaneseq.u32;
	s7 =	ssub.s32 s30, s9;
	s31 =	sshrl.u32 s6, $0x3;
	s9 =	simm.s32 $0x880  }
0xe: {  	vm0 =	vmmov $0xffff;
	v1 =	vshrl.u32 v2, $0x3;
	s8 =	sadd.s32 s8, s4;
	s4 =	sadd.s32 s5, s31;
	s6 =	smax.u32 s7, $0x1  }
0xf: {  	v0 =	vand.u32 $0x7, v2;
	v2 =	vor.u32 $0x8, v2;
	v1 =	vmul.u32 $0x8, v1;
	s7 =	simm.s32 $0x2;
	s5 =	sadd.s32 $0x400, s8;
	s8 =	simm.s32 $0x80  }
.LBB2_1:
0x10: {  	[tilespmem:s2], [sflag:$0x2] =	stream.linear.gather [hbm4b:s4+s2], $0x80, $0x38;
	[tilespmem:$0x8080] =	vst v63  }
0x11: {  	_ =	swait.ge [sflag:s7], $0x80  }
0x12: {  	[sflag:s7] =	ssyncset.done $0x0  }
0x13: {  	[sflag:s7] =	ssyncadd.s32 $0xFFFFFF80  }
0x14: {  	v3 =	vld [tilespmem:$0x0];
	_ =	sdelay $0x4  }
0x15: {  	v4 =	vshll.u32 v3, $0x1  }
0x16: {  	v3 =	vand.u32 $0x7, v3;
	v4 =	vand.u32 $0xFFFFFFF0, v4  }
0x17: {  	v3 =	vor.u32 v3, v4  }
0x18: {  	v4 =	vperm.xlane v3, v0;
	_ =	sdelay $0x1  }
0x19: {  	v3 =	vperm.xlane v3, v2;
	v4 =	vadd.s32 v1, v4;
	_ =	sdelay $0x1  }
0x1a: {  	v3 =	vadd.s32 v1, v3;
	_ =	sdelay $0x2  }
0x1b: {  	[tilespmem:s8], [sflag:$0x1] =	stream.indirect_vreg.gather [hbm4b:s3+s2], $0x80, v4, vm0, $0xb8;
	[tilespmem:$0x8080] =	vst v63  }
0x1c: {  	_ = 	snop  }
0x1d: {  	[tilespmem:s9], [sflag:$0x1] =	stream.indirect_vreg.gather [hbm4b:s3+s2], $0x80, v3, vm0, $0xb8;
	[tilespmem:$0x8080] =	vst v63  }
0x1e: {  	v3 =	vld [tilespmem:$0x10];
	_ =	sdelay $0x4  }
0x1f: {  	v57 =	vshll.u32 v3, $0x1  }
0x20: {  	v3 =	vand.u32 $0x7, v3;
	v4 =	vand.u32 $0xFFFFFFF0, v57  }
0x21: {  	v3 =	vor.u32 v3, v4  }
0x22: {  	v4 =	vperm.xlane v3, v0;
	_ =	sdelay $0x1  }
0x23: {  	v3 =	vperm.xlane v3, v2;
	v4 =	vadd.s32 v1, v4;
	_ =	sdelay $0x1  }
0x24: {  	v3 =	vadd.s32 v1, v3;
	_ =	sdelay $0x2  }
0x25: {  	[tilespmem:s10], [sflag:$0x1] =	stream.indirect_vreg.gather [hbm4b:s3+s2], $0x80, v4, vm0, $0xb8;
	[tilespmem:$0x8080] =	vst v63  }
0x26: {  	_ = 	snop  }
0x27: {  	[tilespmem:s11], [sflag:$0x1] =	stream.indirect_vreg.gather [hbm4b:s3+s2], $0x80, v3, vm0, $0xb8;
	[tilespmem:$0x8080] =	vst v63  }
0x28: {  	v3 =	vld [tilespmem:$0x20];
	_ =	sdelay $0x4  }
0x29: {  	v58 =	vshll.u32 v3, $0x1  }
0x2a: {  	v3 =	vand.u32 $0x7, v3;
	v4 =	vand.u32 $0xFFFFFFF0, v58  }
0x2b: {  	v3 =	vor.u32 v3, v4  }
0x2c: {  	v4 =	vperm.xlane v3, v0;
	_ =	sdelay $0x1  }
0x2d: {  	v3 =	vperm.xlane v3, v2;
	v4 =	vadd.s32 v1, v4;
	_ =	sdelay $0x1  }
0x2e: {  	v3 =	vadd.s32 v1, v3;
	_ =	sdelay $0x2  }
0x2f: {  	[tilespmem:s12], [sflag:$0x1] =	stream.indirect_vreg.gather [hbm4b:s3+s2], $0x80, v4, vm0, $0xb8;
	[tilespmem:$0x8080] =	vst v63  }
0x30: {  	_ = 	snop  }
0x31: {  	[tilespmem:s13], [sflag:$0x1] =	stream.indirect_vreg.gather [hbm4b:s3+s2], $0x80, v3, vm0, $0xb8;
	[tilespmem:$0x8080] =	vst v63  }
0x32: {  	v3 =	vld [tilespmem:$0x30];
	_ =	sdelay $0x4  }
0x33: {  	v59 =	vshll.u32 v3, $0x1  }
0x34: {  	v3 =	vand.u32 $0x7, v3;
	v4 =	vand.u32 $0xFFFFFFF0, v59  }
0x35: {  	v3 =	vor.u32 v3, v4  }
0x36: {  	v4 =	vperm.xlane v3, v0;
	_ =	sdelay $0x1  }
0x37: {  	v3 =	vperm.xlane v3, v2;
	v4 =	vadd.s32 v1, v4;
	_ =	sdelay $0x1  }
0x38: {  	v3 =	vadd.s32 v1, v3;
	_ =	sdelay $0x2  }
0x39: {  	[tilespmem:s14], [sflag:$0x1] =	stream.indirect_vreg.gather [hbm4b:s3+s2], $0x80, v4, vm0, $0xb8;
	[tilespmem:$0x8080] =	vst v63  }
0x3a: {  	_ = 	snop  }
0x3b: {  	[tilespmem:s15], [sflag:$0x1] =	stream.indirect_vreg.gather [hbm4b:s3+s2], $0x80, v3, vm0, $0xb8;
	[tilespmem:$0x8080] =	vst v63  }
0x3c: {  	v3 =	vld [tilespmem:$0x40];
	_ =	sdelay $0x4  }
0x3d: {  	v60 =	vshll.u32 v3, $0x1  }
0x3e: {  	v3 =	vand.u32 $0x7, v3;
	v4 =	vand.u32 $0xFFFFFFF0, v60  }
0x3f: {  	v3 =	vor.u32 v3, v4  }
0x40: {  	v4 =	vperm.xlane v3, v0;
	_ =	sdelay $0x1  }
0x41: {  	v3 =	vperm.xlane v3, v2;
	v4 =	vadd.s32 v1, v4;
	_ =	sdelay $0x1  }
0x42: {  	v3 =	vadd.s32 v1, v3;
	_ =	sdelay $0x2  }
0x43: {  	[tilespmem:s16], [sflag:$0x1] =	stream.indirect_vreg.gather [hbm4b:s3+s2], $0x80, v4, vm0, $0xb8;
	[tilespmem:$0x8080] =	vst v63  }
0x44: {  	_ = 	snop  }
0x45: {  	[tilespmem:s17], [sflag:$0x1] =	stream.indirect_vreg.gather [hbm4b:s3+s2], $0x80, v3, vm0, $0xb8;
	[tilespmem:$0x8080] =	vst v63  }
0x46: {  	v3 =	vld [tilespmem:$0x50];
	_ =	sdelay $0x4  }
0x47: {  	v61 =	vshll.u32 v3, $0x1  }
0x48: {  	v3 =	vand.u32 $0x7, v3;
	v4 =	vand.u32 $0xFFFFFFF0, v61  }
0x49: {  	v3 =	vor.u32 v3, v4  }
0x4a: {  	v4 =	vperm.xlane v3, v0;
	_ =	sdelay $0x1  }
0x4b: {  	v3 =	vperm.xlane v3, v2;
	v4 =	vadd.s32 v1, v4;
	_ =	sdelay $0x1  }
0x4c: {  	v3 =	vadd.s32 v1, v3;
	_ =	sdelay $0x2  }
0x4d: {  	[tilespmem:s18], [sflag:$0x1] =	stream.indirect_vreg.gather [hbm4b:s3+s2], $0x80, v4, vm0, $0xb8;
	[tilespmem:$0x8080] =	vst v63  }
0x4e: {  	_ = 	snop  }
0x4f: {  	[tilespmem:s19], [sflag:$0x1] =	stream.indirect_vreg.gather [hbm4b:s3+s2], $0x80, v3, vm0, $0xb8;
	[tilespmem:$0x8080] =	vst v63  }
0x50: {  	v3 =	vld [tilespmem:$0x60];
	_ =	sdelay $0x4  }
0x51: {  	v62 =	vshll.u32 v3, $0x1  }
0x52: {  	v3 =	vand.u32 $0x7, v3;
	v4 =	vand.u32 $0xFFFFFFF0, v62  }
0x53: {  	v3 =	vor.u32 v3, v4  }
0x54: {  	v4 =	vperm.xlane v3, v0;
	_ =	sdelay $0x1  }
0x55: {  	v3 =	vperm.xlane v3, v2;
	v4 =	vadd.s32 v1, v4;
	_ =	sdelay $0x1  }
0x56: {  	v3 =	vadd.s32 v1, v3;
	_ =	sdelay $0x2  }
0x57: {  	[tilespmem:s20], [sflag:$0x1] =	stream.indirect_vreg.gather [hbm4b:s3+s2], $0x80, v4, vm0, $0xb8;
	[tilespmem:$0x8080] =	vst v63  }
0x58: {  	_ = 	snop  }
0x59: {  	[tilespmem:s21], [sflag:$0x1] =	stream.indirect_vreg.gather [hbm4b:s3+s2], $0x80, v3, vm0, $0xb8;
	[tilespmem:$0x8080] =	vst v63  }
0x5a: {  	v3 =	vld [tilespmem:$0x70];
	_ =	sdelay $0x4  }
0x5b: {  	v63 =	vshll.u32 v3, $0x1  }
0x5c: {  	v3 =	vand.u32 $0x7, v3;
	v4 =	vand.u32 $0xFFFFFFF0, v63  }
0x5d: {  	v3 =	vor.u32 v3, v4  }
0x5e: {  	v4 =	vperm.xlane v3, v0;
	_ =	sdelay $0x1  }
0x5f: {  	v3 =	vperm.xlane v3, v2;
	v4 =	vadd.s32 v1, v4;
	_ =	sdelay $0x1  }
0x60: {  	v3 =	vadd.s32 v1, v3;
	_ =	sdelay $0x2  }
0x61: {  	[tilespmem:s22], [sflag:$0x1] =	stream.indirect_vreg.gather [hbm4b:s3+s2], $0x80, v4, vm0, $0xb8;
	[tilespmem:$0x8080] =	vst v63  }
0x62: {  	_ = 	snop  }
0x63: {  	[tilespmem:s23], [sflag:$0x1] =	stream.indirect_vreg.gather [hbm4b:s3+s2], $0x80, v3, vm0, $0xb8;
	[tilespmem:$0x8080] =	vst v63  }
0x64: {  	_ =	swait.ge [sflag:s24], $0x8000  }
0x65: {  	p0 =	sne.s32 s6, $0x1;
	[sflag:s24] =	ssyncset.done $0x0  }
.Ltmp0:
0x66: {  	[sflag:s24] =	ssyncadd.s32 $0xFFFF8000;
	(pc) =	sbr.rel @p0 .LBB2_1-.Ltmp0, $4  }
0x67: {  	[hbm4b:s5+s2] =	stream.linear.scatter [tilespmem:s8], [sflag:$0x2], $0x8000, $0x38;
	[tilespmem:$0x8080] =	vst v63  }
0x68: {  	_ =	swait.ge [sflag:s7], $0x8000  }
0x69: {  	[sflag:s7] =	ssyncset.done $0x0  }
0x6a: {  	s6 =	sadd.s32 $0xFFFFFFFF, s6;
	[sflag:s7] =	ssyncadd.s32 $0xFFFF8000  }
0x6b: {  	_ =	sfence.sel $0x180000  }
0x6c: {  	[bflag:$0x0] =	sbarrier.arrive $0xFFFF  }
0x6d: {  	p0 =	sne.s32 s1, $0x0;
	_ =	strace $0x90000047  }
0x6e: {  	s0 =	sadd.s32 @!p0 $0x100000, s0;
	[bflag:$0x2] =	sbarrier.arrive $0xFFFF  }
0x6f: {  	[sflag:s0] =	ssyncadd.tile.s32 @!p0 $0x1;
	_ =	shalt  }
.Lfunc_end2:
_tile_overlayer_lowered:
.L_overlay_start_2:
0x70: {  	(tag) =	ssettag $0x2  }
0x71: {  	s0 =	rddreg [dreg:$0x0];
	s2 =	stileid.u32  }
0x72: {  	s1 =	rddreg [dreg:$0x1];
	p0 =	sne.s32 s2, $0x0  }
0x73: {  	s3 =	rddreg [dreg:$0x2];
	[bflag:$0x3] =	sbarrier.arrive $0xFFFF;
	s2 =	simm.s32 @!p0 $0x1C02  }
0x74: {  	[timem:s3], [sflag:s2] =	dma.local @!p0 [hbm:s0], s1  }
0x75: {  	s0 =	simm.s32 @!p0 $0x2  }
0x76: {  	_ =	swait.ge @!p0 [sflag:s0], s1  }
0x77: {  	s1 =	ssub.s32 @!p0 $0x0, s1;
	[sflag:s0] =	ssyncset.done @!p0 $0x0  }
0x78: {  	[sflag:s0] =	ssyncadd.s32 @!p0 s1  }
0x79: {  	[bflag:$0x3] =	sbarrier.arrive $0xFFFF  }
0x7a: {  	_ =	shalt  }

</sc_bundles>
